<compile_context>
chip_gen: v7x
topology: tpu7x:2x2x1
jax: 0.10.2.dev20260603
libtpu: 0.0.44.dev20260713+nightly
codegen_flags: <defaults>
</compile_context>

<pallas_src>
import functools

import jax
import jax.numpy as jnp
from jax import lax
from jax.experimental import pallas as pl
from jax.experimental.pallas import tpu as pltpu
from jax.experimental.pallas import tpu_sc as plsc

NN = 10000
EE = 320000
FF = 128
GG = 64
NP_ = 10240
KC = 80
NTILES = 32
CPT = 125
RB = 2000
NBLK = NN // RB


def _mesh():
    return plsc.VectorSubcoreMesh(core_axis_name="c", subcore_axis_name="s")


def _deg_body(dst_hbm, out_hbm, didx, ones_v, stage_v, acc, sa, sb):
    c = lax.axis_index("c")
    s = lax.axis_index("s")
    wid = s * 2 + c

    def fill_z(i, _):
        stage_v[pl.ds(i * 16, 16)] = jnp.zeros((16,), jnp.float32)
        return 0
    lax.fori_loop(0, 40, fill_z, 0)

    def fill_o(i, _):
        ones_v[pl.ds(i * 16, 16)] = jnp.full((16,), 1.0, jnp.float32)
        return 0
    lax.fori_loop(0, KC // 16, fill_o, 0)

    pltpu.sync_copy(stage_v, acc.at[pl.ds(s * 640, 640)])
    base = wid * CPT
    ab = pl.multiple_of(
        jnp.minimum((base // 8) * 8, NTILES * CPT - 136), 8)
    off = base - ab
    pltpu.sync_copy(dst_hbm.at[1, pl.ds(ab, 136)], didx)
    plsc.subcore_barrier()

    def step(p, _):
        da = pltpu.async_copy(ones_v, acc.at[didx.at[off + 2 * p]], sa, add=True)
        db = pltpu.async_copy(ones_v, acc.at[didx.at[off + 2 * p + 1]], sb, add=True)
        da.wait()
        db.wait()
        return 0
    lax.fori_loop(0, CPT // 2, step, 0)
    dl = pltpu.async_copy(ones_v, acc.at[didx.at[off + CPT - 1]], sa, add=True)
    dl.wait()

    plsc.subcore_barrier()
    pltpu.sync_copy(acc.at[pl.ds(s * 640, 640)], stage_v)
    pltpu.sync_copy(stage_v, out_hbm.at[pl.ds(c * NP_ + s * 640, 640)])


@jax.jit
def _sc_deg(dst2d):
    k = pl.kernel(
        _deg_body,
        out_type=jax.ShapeDtypeStruct((2 * NP_,), jnp.float32),
        mesh=_mesh(),
        scratch_types=[
            pltpu.VMEM((136, KC), jnp.int32),
            pltpu.VMEM((KC,), jnp.float32),
            pltpu.VMEM((640,), jnp.float32),
            pltpu.VMEM_SHARED((NP_,), jnp.float32),
            pltpu.SemaphoreType.DMA,
            pltpu.SemaphoreType.DMA,
        ],
    )
    return k(dst2d)


def _spmm_body(g_hbm, src_hbm, out_hbm, sidx, didx, rowsa, rowsb,
               acc, sga, sgb, ssa, ssb):
    dst_hbm = src_hbm
    c = lax.axis_index("c")
    s = lax.axis_index("s")
    wid = s * 2 + c

    def fill_z(i, _):
        r = i // 8
        l = i - r * 8
        rowsa[r, pl.ds(l * 16, 16)] = jnp.zeros((16,), jnp.float32)
        return 0
    lax.fori_loop(0, KC * 8, fill_z, 0)

    def zstripe(t, _):
        pltpu.sync_copy(rowsa, acc.at[pl.ds(s * 640 + t * KC, KC)])
        return 0
    lax.fori_loop(0, 640 // KC, zstripe, 0)
    plsc.subcore_barrier()

    for h in (0, 1):
        base = wid * CPT + h * 62
        ab = pl.multiple_of(
            jnp.minimum((base // 8) * 8, NTILES * CPT - 72), 8)
        off = base - ab
        pltpu.sync_copy(src_hbm.at[0, pl.ds(ab, 72)], sidx)
        pltpu.sync_copy(src_hbm.at[1, pl.ds(ab, 72)], didx)
        pltpu.async_copy(g_hbm.at[sidx.at[off]], rowsa, sga)
        pltpu.async_copy(g_hbm.at[sidx.at[off + 1]], rowsb, sgb)

        def step(p, _):
            t0 = off + 2 * p
            pltpu.make_async_copy(g_hbm.at[sidx.at[t0]], rowsa, sga).wait()
            sa = pltpu.async_copy(rowsa, acc.at[didx.at[t0]], ssa, add=True)
            pltpu.make_async_copy(g_hbm.at[sidx.at[t0 + 1]], rowsb, sgb).wait()
            sb = pltpu.async_copy(rowsb, acc.at[didx.at[t0 + 1]], ssb, add=True)
            sa.wait()

            @pl.when(p < 30 + h)
            def _():
                pltpu.async_copy(g_hbm.at[sidx.at[t0 + 2]], rowsa, sga)

            sb.wait()

            @pl.when(p < 30)
            def _():
                pltpu.async_copy(g_hbm.at[sidx.at[t0 + 3]], rowsb, sgb)

            return 0
        lax.fori_loop(0, 31, step, 0)
        if h == 1:
            pltpu.make_async_copy(g_hbm.at[sidx.at[off + 62]], rowsa, sga).wait()
            sl = pltpu.async_copy(rowsa, acc.at[didx.at[off + 62]], ssa, add=True)
            sl.wait()

    plsc.subcore_barrier()

    def wout(q, _):
        r0 = s * 640 + q * (2 * KC)
        o0 = c * NP_ + r0
        ia = pltpu.async_copy(acc.at[pl.ds(r0, KC)], rowsa, sga)
        ib = pltpu.async_copy(acc.at[pl.ds(r0 + KC, KC)], rowsb, sgb)
        ia.wait()
        oa = pltpu.async_copy(rowsa, out_hbm.at[pl.ds(o0, KC)], ssa)
        ib.wait()
        ob = pltpu.async_copy(rowsb, out_hbm.at[pl.ds(o0 + KC, KC)], ssb)
        oa.wait()
        ob.wait()
        return 0
    lax.fori_loop(0, 320 // KC, wout, 0)


@jax.jit
def _sc_spmm(g, ei3):
    k = pl.kernel(
        _spmm_body,
        out_type=jax.ShapeDtypeStruct((2 * NP_, FF), jnp.float32),
        mesh=_mesh(),
        scratch_types=[
            pltpu.VMEM((72, KC), jnp.int32),
            pltpu.VMEM((72, KC), jnp.int32),
            pltpu.VMEM((KC, FF), jnp.float32),
            pltpu.VMEM((KC, FF), jnp.float32),
            pltpu.VMEM_SHARED((NP_, FF), jnp.float32),
            pltpu.SemaphoreType.DMA,
            pltpu.SemaphoreType.DMA,
            pltpu.SemaphoreType.DMA,
            pltpu.SemaphoreType.DMA,
        ],
    )
    return k(g, ei3)


def _tca_body(x_ref, w1_ref, d0_ref, d1_ref, rid_ref,
              h1_ref, g1_ref, dinv_ref, r1_ref):
    i = pl.program_id(0)
    xb = x_ref[...]
    h1 = jnp.dot(xb, w1_ref[...], preferred_element_type=jnp.float32)
    deg = (d0_ref[...] + d1_ref[...]).reshape(RB, 1) + 1.0
    dinv = lax.rsqrt(deg)
    h1_ref[...] = h1
    dinv_ref[...] = dinv
    g1_ref[...] = h1 * dinv
    rid = rid_ref[...]
    col = lax.broadcasted_iota(jnp.int32, (GG, RB), 1) + i * RB
    pmat = (rid == col).astype(jnp.float32)

    @pl.when(i == 0)
    def _():
        r1_ref[...] = jnp.zeros((GG, FF), jnp.float32)

    r1_ref[...] += jnp.dot(pmat, xb, preferred_element_type=jnp.float32)


@jax.jit
def _tc_a(x, W1, degp, rid):
    return pl.pallas_call(
        _tca_body,
        grid=(NBLK,),
        in_specs=[
            pl.BlockSpec((RB, FF), lambda i: (i, 0)),
            pl.BlockSpec((FF, FF), lambda i: (0, 0)),
            pl.BlockSpec((1, RB, 1), lambda i: (0, i, 0)),
            pl.BlockSpec((1, RB, 1), lambda i: (1, i, 0)),
            pl.BlockSpec((GG, 1), lambda i: (0, 0)),
        ],
        out_specs=[
            pl.BlockSpec((RB, FF), lambda i: (i, 0)),
            pl.BlockSpec((RB, FF), lambda i: (i, 0)),
            pl.BlockSpec((RB, 1), lambda i: (i, 0)),
            pl.BlockSpec((GG, FF), lambda i: (0, 0)),
        ],
        out_shape=[
            jax.ShapeDtypeStruct((NN, FF), jnp.float32),
            jax.ShapeDtypeStruct((NN, FF), jnp.float32),
            jax.ShapeDtypeStruct((NN, 1), jnp.float32),
            jax.ShapeDtypeStruct((GG, FF), jnp.float32),
        ],
    )(x, W1, degp, degp, rid)


def _tcb_body(a0_ref, a1_ref, h1_ref, dinv_ref, b1_ref, bat_ref, rid_ref,
              r1_ref, w2a_ref, w2b_ref,
              g2_ref, h2l_ref, r2_ref, r1w_ref):
    i = pl.program_id(0)

    @pl.when(i == 0)
    def _():
        r1w_ref[...] = jnp.dot(jnp.maximum(r1_ref[...], 0.0), w2b_ref[...],
                               preferred_element_type=jnp.float32)
        r2_ref[...] = jnp.zeros((GG, FF), jnp.float32)

    dinv = dinv_ref[...]
    accs = (a0_ref[...] + a1_ref[...]).reshape(RB, FF)
    c1 = dinv * accs + dinv * dinv * h1_ref[...] + b1_ref[...]
    relu1 = jnp.maximum(c1, 0.0)
    bat = bat_ref[...]
    bmat = (bat == lax.broadcasted_iota(jnp.int32, (RB, GG), 1)).astype(jnp.float32)
    h2 = (jnp.dot(relu1, w2a_ref[...], preferred_element_type=jnp.float32)
          + jnp.dot(bmat, r1w_ref[...], preferred_element_type=jnp.float32))
    h2l_ref[...] = h2
    g2_ref[...] = h2 * dinv

    rid = rid_ref[...]
    col = lax.broadcasted_iota(jnp.int32, (GG, RB), 1) + i * RB
    pmat = (rid == col).astype(jnp.float32)
    r2_ref[...] += jnp.dot(pmat, c1, preferred_element_type=jnp.float32)


@jax.jit
def _tc_b(p1, h1, dinv, b1, bat, rid, roots1, w2a, w2b):
    return pl.pallas_call(
        _tcb_body,
        grid=(NBLK,),
        in_specs=[
            pl.BlockSpec((1, RB, FF), lambda i: (0, i, 0)),
            pl.BlockSpec((1, RB, FF), lambda i: (1, i, 0)),
            pl.BlockSpec((RB, FF), lambda i: (i, 0)),
            pl.BlockSpec((RB, 1), lambda i: (i, 0)),
            pl.BlockSpec((1, FF), lambda i: (0, 0)),
            pl.BlockSpec((RB, 1), lambda i: (i, 0)),
            pl.BlockSpec((GG, 1), lambda i: (0, 0)),
            pl.BlockSpec((GG, FF), lambda i: (0, 0)),
            pl.BlockSpec((FF, FF), lambda i: (0, 0)),
            pl.BlockSpec((FF, FF), lambda i: (0, 0)),
        ],
        out_specs=[
            pl.BlockSpec((RB, FF), lambda i: (i, 0)),
            pl.BlockSpec((RB, FF), lambda i: (i, 0)),
            pl.BlockSpec((GG, FF), lambda i: (0, 0)),
        ],
        out_shape=[
            jax.ShapeDtypeStruct((NN, FF), jnp.float32),
            jax.ShapeDtypeStruct((NN, FF), jnp.float32),
            jax.ShapeDtypeStruct((GG, FF), jnp.float32),
        ],
        scratch_shapes=[pltpu.VMEM((GG, FF), jnp.float32)],
    )(p1, p1, h1, dinv, b1, bat, rid, roots1, w2a, w2b)


def _tcc_body(a0_ref, a1_ref, h2l_ref, dinv_ref, b2_ref, bat_ref, r2_ref,
              out_ref, sum_ref, cnt_ref):
    i = pl.program_id(0)

    @pl.when(i == 0)
    def _():
        sum_ref[...] = jnp.zeros((GG, FF), jnp.float32)
        cnt_ref[...] = jnp.zeros((GG, 1), jnp.float32)

    dinv = dinv_ref[...]
    accs = (a0_ref[...] + a1_ref[...]).reshape(RB, FF)
    c2 = dinv * accs + dinv * dinv * h2l_ref[...] + b2_ref[...]
    relu2 = jnp.maximum(c2, 0.0)
    bat = bat_ref[...]
    bmat = (bat == lax.broadcasted_iota(jnp.int32, (RB, GG), 1)).astype(jnp.float32)
    sum_ref[...] += lax.dot_general(bmat, relu2, (((0,), (0,)), ((), ())),
                                    preferred_element_type=jnp.float32)
    ones_col = jnp.ones((RB, 1), jnp.float32)
    cnt_ref[...] += lax.dot_general(bmat, ones_col, (((0,), (0,)), ((), ())),
                                    preferred_element_type=jnp.float32)

    @pl.when(i == NBLK - 1)
    def _():
        cnt = cnt_ref[...]
        mean = sum_ref[...] / jnp.maximum(cnt, 1.0)
        rootp = jnp.where(cnt > 0.0, r2_ref[...], 0.0)
        out_ref[...] = jnp.concatenate([mean, rootp], axis=1)


@jax.jit
def _tc_c(p2, h2l, dinv, b2, bat, roots2):
    return pl.pallas_call(
        _tcc_body,
        grid=(NBLK,),
        in_specs=[
            pl.BlockSpec((1, RB, FF), lambda i: (0, i, 0)),
            pl.BlockSpec((1, RB, FF), lambda i: (1, i, 0)),
            pl.BlockSpec((RB, FF), lambda i: (i, 0)),
            pl.BlockSpec((RB, 1), lambda i: (i, 0)),
            pl.BlockSpec((1, FF), lambda i: (0, 0)),
            pl.BlockSpec((RB, 1), lambda i: (i, 0)),
            pl.BlockSpec((GG, FF), lambda i: (0, 0)),
        ],
        out_specs=pl.BlockSpec((GG, 2 * FF), lambda i: (0, 0)),
        out_shape=jax.ShapeDtypeStruct((GG, 2 * FF), jnp.float32),
        scratch_shapes=[
            pltpu.VMEM((GG, FF), jnp.float32),
            pltpu.VMEM((GG, 1), jnp.float32),
        ],
    )(p2, p2, h2l, dinv, b2, bat, roots2)


def kernel(x, edge_index, root_index, batch, W1, b1, W2, b2):
    x = x.astype(jnp.float32)
    ei3 = edge_index.reshape(2, NTILES * CPT, KC)

    degp = _sc_deg(ei3).reshape(2, NP_, 1)
    rid = root_index.reshape(GG, 1)
    bat = batch.reshape(NN, 1)

    h1, g1, dinv, roots1 = _tc_a(x, W1, degp, rid)

    p1 = _sc_spmm(g1, ei3).reshape(2, NP_, FF)
    g2, h2l, roots2 = _tc_b(p1, h1, dinv, b1.reshape(1, FF), bat, rid, roots1,
                            W2[:FF], W2[FF:])

    p2 = _sc_spmm(g2, ei3).reshape(2, NP_, FF)
    out = _tc_c(p2, h2l, dinv, b2.reshape(1, FF), bat, roots2)
    return out

# --- scband reference (transcript-rebuilt; emitter-appended) ---
"""Pipeline reference for scband-rumor-gcn-54640573939719 (READ-ONLY COPY).

The authoritative reference and input builder live on the scoring server;
editing this copy changes nothing except your own understanding.
"""

import jax, jax.numpy as jnp
import numpy as np

N = 10000
E = 320000
IN_FEATS = 128
HID = 128
OUT = 128
NUM_GRAPHS = 64


def gcn_conv(x, edge_index, W, b):
    # Faithful PyG GCNConv: linear -> add self-loops -> sym-normalized scatter-add -> bias
    n = x.shape[0]
    src = edge_index[0]
    dst = edge_index[1]
    loop = jnp.arange(n, dtype=src.dtype)
    src = jnp.concatenate([src, loop], axis=0)
    dst = jnp.concatenate([dst, loop], axis=0)
    ew = jnp.ones(src.shape[0], dtype=jnp.float32)
    deg = jax.ops.segment_sum(ew, dst, num_segments=n)
    dinv = jnp.where(deg > 0, deg ** -0.5, 0.0)
    norm = dinv[src] * dinv[dst]
    h = x @ W
    msg = h[src] * norm[:, None]
    out = jax.ops.segment_sum(msg, dst, num_segments=n)
    return out + b


def setup_inputs(seed: int = 0) -> dict:
    key = jax.random.key(seed)
    ks = jax.random.split(key, 8)
    x = jax.random.normal(ks[0], (N, IN_FEATS), dtype=jnp.float32)
    edge_index = jax.random.randint(ks[1], (2, E), 0, N, dtype=jnp.int32)
    root_index = jax.random.randint(ks[2], (NUM_GRAPHS,), 0, N, dtype=jnp.int32)
    batch = jnp.sort(jax.random.randint(ks[3], (N,), 0, NUM_GRAPHS, dtype=jnp.int32))
    s1 = float(np.sqrt(6.0 / (IN_FEATS + HID)))
    s2 = float(np.sqrt(6.0 / (HID + IN_FEATS + OUT)))
    W1 = jax.random.uniform(ks[4], (IN_FEATS, HID), dtype=jnp.float32, minval=-s1, maxval=s1)
    b1 = jnp.zeros((HID,), dtype=jnp.float32)
    W2 = jax.random.uniform(ks[5], (HID + IN_FEATS, OUT), dtype=jnp.float32, minval=-s2, maxval=s2)
    b2 = jnp.zeros((OUT,), dtype=jnp.float32)
    return {"x": x, "edge_index": edge_index, "root_index": root_index, "batch": batch,
            "W1": W1, "b1": b1, "W2": W2, "b2": b2}


def reference(x, edge_index, root_index, batch, W1, b1, W2, b2):
    x1 = x.astype(jnp.float32)
    h = gcn_conv(x, edge_index, W1, b1)
    x2 = h
    # root_extend[i] = x1[root_index[batch[i]]] (vectorized form of the per-graph loop)
    root_extend = x1[root_index[batch]]
    h = jnp.concatenate([h, root_extend], axis=1)
    h = jax.nn.relu(h)
    # F.dropout(training=self.training) -> identity in eval mode
    h = gcn_conv(h, edge_index, W2, b2)
    h = jax.nn.relu(h)
    root_extend2 = x2[root_index[batch]]
    h = jnp.concatenate([h, root_extend2], axis=1)
    ones = jnp.ones((N,), dtype=jnp.float32)
    counts = jax.ops.segment_sum(ones, batch, num_segments=NUM_GRAPHS)
    sums = jax.ops.segment_sum(h, batch, num_segments=NUM_GRAPHS)
    out = sums / jnp.maximum(counts, 1.0)[:, None]
    return out

if __name__ == "__main__":
    import jax
    _d = setup_inputs()
    print(jax.jit(kernel)(*tuple(_d.values())))

</pallas_src>

<mosaic_0001>
#map = affine_map<(d0, d1) -> (0, 0, 0)>
#map1 = affine_map<(d0, d1) -> (0)>
module attributes {stable_mosaic.version = 14 : i64} {
  func.func @_deg_body(%arg0: i32, %arg1: i32, %arg2: memref<2x4000x80xi32, #tpu.memory_space<hbm>>, %arg3: memref<20480xf32, #tpu.memory_space<hbm>>, %arg4: memref<136x80xi32, #tpu.memory_space<vmem>>, %arg5: memref<80xf32, #tpu.memory_space<vmem>>, %arg6: memref<640xf32, #tpu.memory_space<vmem>>, %arg7: memref<10240xf32, #tpu.memory_space<vmem_shared>>, %arg8: memref<!tpu.dma_semaphore, #tpu.memory_space<semaphore_mem>>, %arg9: memref<!tpu.dma_semaphore, #tpu.memory_space<semaphore_mem>>) attributes {dimension_semantics = [#tpu.dimension_semantics<core_parallel>, #tpu.dimension_semantics<subcore_parallel>], iteration_bounds = array<i64: 2, 16>, scalar_prefetch = 0 : i64, scratch_operands = 6 : i64, tpu.core_type = #tpu.core_type<sc_vector_subcore>, window_params = [{transform_indices = #map}, {transform_indices = #map1}]} {
    %mul3A = arith.constant 2 : i32
    %mul3A_0 = arith.muli %arg1, %mul3A : i32
    %add3A = arith.addi %mul3A_0, %arg0 : i32
    %scan3A = arith.constant 0 : i32
    %scan3A_1 = arith.constant 0 : i32
    %scan3A_2 = arith.constant 40 : i32
    %scan3A_3 = arith.addi %scan3A_1, %scan3A_2 : i32
    %scan3A_4 = arith.constant 1 : i32
    %scan3A_5 = scf.for %scan3A_65 = %scan3A_1 to %scan3A_3 step %scan3A_4 iter_args(%scan3A_66 = %scan3A) -> (i32)  : i32 {
      %broadcast_in_dim3A = arith.constant 0.000000e+00 : f32
      %broadcast_in_dim3A_67 = vector.broadcast %broadcast_in_dim3A : f32 to vector<16xf32>
      %mul3A_68 = arith.constant 16 : i32
      %mul3A_69 = arith.muli %scan3A_65, %mul3A_68 : i32
      %swap3A = arith.index_cast %mul3A_69 : i32 to index
      %swap3A_70 = tpu.vector_load %arg6[%swap3A] {strides = array<i32>} : memref<640xf32, #tpu.memory_space<vmem>>, vector<16xf32>,
      %swap3A_71 = vector.shape_cast %swap3A_70 : vector<16xf32> to vector<16xf32>
      %swap3A_72 = vector.shape_cast %broadcast_in_dim3A_67 : vector<16xf32> to vector<16xf32>
      tpu.vector_store %arg6[%swap3A], %swap3A_72 {strides = array<i32>} : memref<640xf32, #tpu.memory_space<vmem>>, vector<16xf32>,
      %scan3A_73 = arith.constant 0 : i32
      scf.yield %scan3A_73 : i32
    }
    %scan3A_6 = arith.constant 40 : i32
    %scan3A_7 = arith.constant 0 : i32
    %scan3A_8 = arith.constant 0 : i32
    %scan3A_9 = arith.constant 5 : i32
    %scan3A_10 = arith.addi %scan3A_8, %scan3A_9 : i32
    %scan3A_11 = arith.constant 1 : i32
    %scan3A_12 = scf.for %scan3A_65 = %scan3A_8 to %scan3A_10 step %scan3A_11 iter_args(%scan3A_66 = %scan3A_7) -> (i32)  : i32 {
      %broadcast_in_dim3A = arith.constant 1.000000e+00 : f32
      %broadcast_in_dim3A_67 = vector.broadcast %broadcast_in_dim3A : f32 to vector<16xf32>
      %mul3A_68 = arith.constant 16 : i32
      %mul3A_69 = arith.muli %scan3A_65, %mul3A_68 : i32
      %swap3A = arith.index_cast %mul3A_69 : i32 to index
      %swap3A_70 = tpu.vector_load %arg5[%swap3A] {strides = array<i32>} : memref<80xf32, #tpu.memory_space<vmem>>, vector<16xf32>,
      %swap3A_71 = vector.shape_cast %swap3A_70 : vector<16xf32> to vector<16xf32>
      %swap3A_72 = vector.shape_cast %broadcast_in_dim3A_67 : vector<16xf32> to vector<16xf32>
      tpu.vector_store %arg5[%swap3A], %swap3A_72 {strides = array<i32>} : memref<80xf32, #tpu.memory_space<vmem>>, vector<16xf32>,
      %scan3A_73 = arith.constant 0 : i32
      scf.yield %scan3A_73 : i32
    }
    %scan3A_13 = arith.constant 5 : i32
    %mul3A_14 = arith.constant 640 : i32
    %mul3A_15 = arith.muli %arg1, %mul3A_14 : i32
    "tpu.region"() ({
      %run_scoped3A_65 = tpu.sem_alloc : memref<!tpu.dma_semaphore, #tpu.memory_space<semaphore_mem>>
      %dma_start3A_66 = tpu.memref_slice %arg7[%mul3A_15] : memref<10240xf32, #tpu.memory_space<vmem_shared>> -> memref<640xf32, #tpu.memory_space<vmem_shared>>
      %dma_start3A_67 = tpu.memref_slice %arg7[%mul3A_15] : memref<10240xf32, #tpu.memory_space<vmem_shared>> -> memref<640xf32, #tpu.memory_space<vmem_shared>>
      tpu.enqueue_dma source(%arg6 : memref<640xf32, #tpu.memory_space<vmem>>) target(%dma_start3A_67 : memref<640xf32, #tpu.memory_space<vmem_shared>>) target_semaphore(%run_scoped3A_65 : memref<!tpu.dma_semaphore, #tpu.memory_space<semaphore_mem>>)
      %dma_wait3A_68 = tpu.memref_slice %arg7[%mul3A_15] : memref<10240xf32, #tpu.memory_space<vmem_shared>> -> memref<640xf32, #tpu.memory_space<vmem_shared>>
      %dma_wait3A_69 = tpu.memref_slice %arg7[%mul3A_15] : memref<10240xf32, #tpu.memory_space<vmem_shared>> -> memref<640xf32, #tpu.memory_space<vmem_shared>>
      tpu.wait_dma2 semaphore(%run_scoped3A_65 : memref<!tpu.dma_semaphore, #tpu.memory_space<semaphore_mem>>) src(%arg6 : memref<640xf32, #tpu.memory_space<vmem>>) dst(%dma_wait3A_69 : memref<640xf32, #tpu.memory_space<vmem_shared>>)
      tpu.yield
    }) : () -> ()
    %mul3A_16 = arith.constant 125 : i32
    %mul3A_17 = arith.muli %add3A, %mul3A_16 : i32
    %jit3A = arith.constant 8 : i32
    %div3A = arith.divsi %mul3A_17, %jit3A : i32
    %sign3A = arith.constant 0 : i32
    %sign3A_18 = arith.cmpi sgt, %mul3A_17, %sign3A : i32
    %sign3A_19 = arith.extui %sign3A_18 : i1 to i32
    %sign3A_20 = arith.constant 0 : i32
    %sign3A_21 = arith.cmpi slt, %mul3A_17, %sign3A_20 : i32
    %sign3A_22 = arith.extui %sign3A_21 : i1 to i32
    %sign3A_23 = arith.subi %sign3A_19, %sign3A_22 : i32
    %sign3A_24 = arith.constant 0 : i32
    %sign3A_25 = arith.cmpi sgt, %jit3A, %sign3A_24 : i32
    %sign3A_26 = arith.extui %sign3A_25 : i1 to i32
    %sign3A_27 = arith.constant 0 : i32
    %sign3A_28 = arith.cmpi slt, %jit3A, %sign3A_27 : i32
    %sign3A_29 = arith.extui %sign3A_28 : i1 to i32
    %sign3A_30 = arith.subi %sign3A_26, %sign3A_29 : i32
    %ne3A = arith.cmpi ne, %sign3A_23, %sign3A_30 : i32
    %rem3A = arith.remsi %mul3A_17, %jit3A : i32
    %ne3A_31 = arith.constant 0 : i32
    %ne3A_32 = arith.cmpi ne, %rem3A, %ne3A_31 : i32
    %and3A = arith.andi %ne3A, %ne3A_32 : i1
    %sub3A = arith.constant 1 : i32
    %sub3A_33 = arith.subi %div3A, %sub3A : i32
    %select_n3A = arith.select %and3A, %sub3A_33, %div3A : i32
    %mul3A_34 = arith.constant 8 : i32
    %mul3A_35 = arith.muli %select_n3A, %mul3A_34 : i32
    %min3A = arith.constant 3864 : i32
    %min3A_36 = arith.minsi %mul3A_35, %min3A : i32
    %multiple_of3A = tpu.assume_multiple %min3A_36, 8 : i32
    %sub3A_37 = arith.subi %mul3A_17, %multiple_of3A : i32
    %run_scoped3A = arith.constant 1 : i32
    "tpu.region"() ({
      %run_scoped3A_65 = tpu.sem_alloc : memref<!tpu.dma_semaphore, #tpu.memory_space<semaphore_mem>>
      %dma_start3A_66 = arith.constant 0 : i32
      %dma_start3A_67 = tpu.memref_slice %arg2[%run_scoped3A, %multiple_of3A, %dma_start3A_66] : memref<2x4000x80xi32, #tpu.memory_space<hbm>> -> memref<1x136x80xi32, #tpu.memory_space<hbm>>
      %dma_start3A_68 = tpu.memref_squeeze %dma_start3A_67 : memref<1x136x80xi32, #tpu.memory_space<hbm>> -> memref<136x80xi32, #tpu.memory_space<hbm>>
      %dma_start3A_69 = arith.constant 0 : i32
      %dma_start3A_70 = tpu.memref_slice %arg2[%run_scoped3A, %multiple_of3A, %dma_start3A_69] : memref<2x4000x80xi32, #tpu.memory_space<hbm>> -> memref<1x136x80xi32, #tpu.memory_space<hbm>>
      %dma_start3A_71 = tpu.memref_squeeze %dma_start3A_70 : memref<1x136x80xi32, #tpu.memory_space<hbm>> -> memref<136x80xi32, #tpu.memory_space<hbm>>
      tpu.enqueue_dma source(%dma_start3A_71 : memref<136x80xi32, #tpu.memory_space<hbm>>) target(%arg4 : memref<136x80xi32, #tpu.memory_space<vmem>>) target_semaphore(%run_scoped3A_65 : memref<!tpu.dma_semaphore, #tpu.memory_space<semaphore_mem>>)
      %dma_wait3A_72 = arith.constant 0 : i32
      %dma_wait3A_73 = tpu.memref_slice %arg2[%run_scoped3A, %multiple_of3A, %dma_wait3A_72] : memref<2x4000x80xi32, #tpu.memory_space<hbm>> -> memref<1x136x80xi32, #tpu.memory_space<hbm>>
      %dma_wait3A_74 = tpu.memref_squeeze %dma_wait3A_73 : memref<1x136x80xi32, #tpu.memory_space<hbm>> -> memref<136x80xi32, #tpu.memory_space<hbm>>
      %dma_wait3A_75 = arith.constant 0 : i32
      %dma_wait3A_76 = tpu.memref_slice %arg2[%run_scoped3A, %multiple_of3A, %dma_wait3A_75] : memref<2x4000x80xi32, #tpu.memory_space<hbm>> -> memref<1x136x80xi32, #tpu.memory_space<hbm>>
      %dma_wait3A_77 = tpu.memref_squeeze %dma_wait3A_76 : memref<1x136x80xi32, #tpu.memory_space<hbm>> -> memref<136x80xi32, #tpu.memory_space<hbm>>
      tpu.wait_dma2 semaphore(%run_scoped3A_65 : memref<!tpu.dma_semaphore, #tpu.memory_space<semaphore_mem>>) src(%dma_wait3A_77 : memref<136x80xi32, #tpu.memory_space<hbm>>) dst(%arg4 : memref<136x80xi32, #tpu.memory_space<vmem>>)
      tpu.yield
    }) : () -> ()
    %barrier3A = arith.constant 0 : index
    tpu.barrier barrier_id(%barrier3A)
    %scan3A_38 = arith.constant 0 : i32
    %scan3A_39 = arith.constant 0 : i32
    %scan3A_40 = arith.constant 62 : i32
    %scan3A_41 = arith.addi %scan3A_39, %scan3A_40 : i32
    %scan3A_42 = arith.constant 1 : i32
    %scan3A_43 = scf.for %scan3A_65 = %scan3A_39 to %scan3A_41 step %scan3A_42 iter_args(%scan3A_66 = %scan3A_38) -> (i32)  : i32 {
      %mul3A_67 = arith.constant 2 : i32
      %mul3A_68 = arith.muli %mul3A_67, %scan3A_65 : i32
      %add3A_69 = arith.addi %sub3A_37, %mul3A_68 : i32
      %dma_start3A_70 = arith.constant 0 : i32
      %dma_start3A_71 = tpu.memref_slice %arg4[%add3A_69, %dma_start3A_70] : memref<136x80xi32, #tpu.memory_space<vmem>> -> memref<1x80xi32, #tpu.memory_space<vmem>>
      %dma_start3A_72 = tpu.memref_squeeze %dma_start3A_71 : memref<1x80xi32, #tpu.memory_space<vmem>> -> memref<80xi32, #tpu.memory_space<vmem>>
      %dma_start3A_73 = arith.constant 0 : i32
      %dma_start3A_74 = tpu.memref_slice %arg7[%dma_start3A_73] : memref<10240xf32, #tpu.memory_space<vmem_shared>> -> memref<10240xf32, #tpu.memory_space<vmem_shared>>
      tpu.enqueue_indirect_dma source(%arg5 : memref<80xf32, #tpu.memory_space<vmem>>) target(%dma_start3A_74 : memref<10240xf32, #tpu.memory_space<vmem_shared>>) offsets(%dma_start3A_72 : memref<80xi32, #tpu.memory_space<vmem>>) semaphore(%arg8 : memref<!tpu.dma_semaphore, #tpu.memory_space<semaphore_mem>>) {add = true}
      %mul3A_75 = arith.constant 2 : i32
      %mul3A_76 = arith.muli %mul3A_75, %scan3A_65 : i32
      %add3A_77 = arith.addi %sub3A_37, %mul3A_76 : i32
      %add3A_78 = arith.constant 1 : i32
      %add3A_79 = arith.addi %add3A_77, %add3A_78 : i32
      %dma_start3A_80 = arith.constant 0 : i32
      %dma_start3A_81 = tpu.memref_slice %arg4[%add3A_79, %dma_start3A_80] : memref<136x80xi32, #tpu.memory_space<vmem>> -> memref<1x80xi32, #tpu.memory_space<vmem>>
      %dma_start3A_82 = tpu.memref_squeeze %dma_start3A_81 : memref<1x80xi32, #tpu.memory_space<vmem>> -> memref<80xi32, #tpu.memory_space<vmem>>
      %dma_start3A_83 = arith.constant 0 : i32
      %dma_start3A_84 = tpu.memref_slice %arg7[%dma_start3A_83] : memref<10240xf32, #tpu.memory_space<vmem_shared>> -> memref<10240xf32, #tpu.memory_space<vmem_shared>>
      tpu.enqueue_indirect_dma source(%arg5 : memref<80xf32, #tpu.memory_space<vmem>>) target(%dma_start3A_84 : memref<10240xf32, #tpu.memory_space<vmem_shared>>) offsets(%dma_start3A_82 : memref<80xi32, #tpu.memory_space<vmem>>) semaphore(%arg9 : memref<!tpu.dma_semaphore, #tpu.memory_space<semaphore_mem>>) {add = true}
      %dma_wait3A_85 = arith.constant 0 : i32
      %dma_wait3A_86 = tpu.memref_slice %arg4[%add3A_69, %dma_wait3A_85] : memref<136x80xi32, #tpu.memory_space<vmem>> -> memref<1x80xi32, #tpu.memory_space<vmem>>
      %dma_wait3A_87 = tpu.memref_squeeze %dma_wait3A_86 : memref<1x80xi32, #tpu.memory_space<vmem>> -> memref<80xi32, #tpu.memory_space<vmem>>
      %dma_wait3A_88 = arith.constant 0 : i32
      %dma_wait3A_89 = tpu.memref_slice %arg7[%dma_wait3A_88] : memref<10240xf32, #tpu.memory_space<vmem_shared>> -> memref<10240xf32, #tpu.memory_space<vmem_shared>>
      tpu.wait_indirect_dma semaphore(%arg8 : memref<!tpu.dma_semaphore, #tpu.memory_space<semaphore_mem>>) src(%arg5 : memref<80xf32, #tpu.memory_space<vmem>>) dst(%dma_wait3A_89 : memref<10240xf32, #tpu.memory_space<vmem_shared>>)
      %dma_wait3A_90 = arith.constant 0 : i32
      %dma_wait3A_91 = tpu.memref_slice %arg4[%add3A_79, %dma_wait3A_90] : memref<136x80xi32, #tpu.memory_space<vmem>> -> memref<1x80xi32, #tpu.memory_space<vmem>>
      %dma_wait3A_92 = tpu.memref_squeeze %dma_wait3A_91 : memref<1x80xi32, #tpu.memory_space<vmem>> -> memref<80xi32, #tpu.memory_space<vmem>>
      %dma_wait3A_93 = arith.constant 0 : i32
      %dma_wait3A_94 = tpu.memref_slice %arg7[%dma_wait3A_93] : memref<10240xf32, #tpu.memory_space<vmem_shared>> -> memref<10240xf32, #tpu.memory_space<vmem_shared>>
      tpu.wait_indirect_dma semaphore(%arg9 : memref<!tpu.dma_semaphore, #tpu.memory_space<semaphore_mem>>) src(%arg5 : memref<80xf32, #tpu.memory_space<vmem>>) dst(%dma_wait3A_94 : memref<10240xf32, #tpu.memory_space<vmem_shared>>)
      %scan3A_95 = arith.constant 0 : i32
      scf.yield %scan3A_95 : i32
    }
    %scan3A_44 = arith.constant 62 : i32
    %add3A_45 = arith.constant 125 : i32
    %add3A_46 = arith.addi %sub3A_37, %add3A_45 : i32
    %sub3A_47 = arith.constant 1 : i32
    %sub3A_48 = arith.subi %add3A_46, %sub3A_47 : i32
    %dma_start3A = arith.constant 0 : i32
    %dma_start3A_49 = tpu.memref_slice %arg4[%sub3A_48, %dma_start3A] : memref<136x80xi32, #tpu.memory_space<vmem>> -> memref<1x80xi32, #tpu.memory_space<vmem>>
    %dma_start3A_50 = tpu.memref_squeeze %dma_start3A_49 : memref<1x80xi32, #tpu.memory_space<vmem>> -> memref<80xi32, #tpu.memory_space<vmem>>
    %dma_start3A_51 = arith.constant 0 : i32
    %dma_start3A_52 = tpu.memref_slice %arg7[%dma_start3A_51] : memref<10240xf32, #tpu.memory_space<vmem_shared>> -> memref<10240xf32, #tpu.memory_space<vmem_shared>>
    tpu.enqueue_indirect_dma source(%arg5 : memref<80xf32, #tpu.memory_space<vmem>>) target(%dma_start3A_52 : memref<10240xf32, #tpu.memory_space<vmem_shared>>) offsets(%dma_start3A_50 : memref<80xi32, #tpu.memory_space<vmem>>) semaphore(%arg8 : memref<!tpu.dma_semaphore, #tpu.memory_space<semaphore_mem>>) {add = true}
    %dma_wait3A = arith.constant 0 : i32
    %dma_wait3A_53 = tpu.memref_slice %arg4[%sub3A_48, %dma_wait3A] : memref<136x80xi32, #tpu.memory_space<vmem>> -> memref<1x80xi32, #tpu.memory_space<vmem>>
    %dma_wait3A_54 = tpu.memref_squeeze %dma_wait3A_53 : memref<1x80xi32, #tpu.memory_space<vmem>> -> memref<80xi32, #tpu.memory_space<vmem>>
    %dma_wait3A_55 = arith.constant 0 : i32
    %dma_wait3A_56 = tpu.memref_slice %arg7[%dma_wait3A_55] : memref<10240xf32, #tpu.memory_space<vmem_shared>> -> memref<10240xf32, #tpu.memory_space<vmem_shared>>
    tpu.wait_indirect_dma semaphore(%arg8 : memref<!tpu.dma_semaphore, #tpu.memory_space<semaphore_mem>>) src(%arg5 : memref<80xf32, #tpu.memory_space<vmem>>) dst(%dma_wait3A_56 : memref<10240xf32, #tpu.memory_space<vmem_shared>>)
    %barrier3A_57 = arith.constant 0 : index
    tpu.barrier barrier_id(%barrier3A_57)
    %mul3A_58 = arith.constant 640 : i32
    %mul3A_59 = arith.muli %arg1, %mul3A_58 : i32
    "tpu.region"() ({
      %run_scoped3A_65 = tpu.sem_alloc : memref<!tpu.dma_semaphore, #tpu.memory_space<semaphore_mem>>
      %dma_start3A_66 = tpu.memref_slice %arg7[%mul3A_59] : memref<10240xf32, #tpu.memory_space<vmem_shared>> -> memref<640xf32, #tpu.memory_space<vmem_shared>>
      %dma_start3A_67 = tpu.memref_slice %arg7[%mul3A_59] : memref<10240xf32, #tpu.memory_space<vmem_shared>> -> memref<640xf32, #tpu.memory_space<vmem_shared>>
      tpu.enqueue_dma source(%dma_start3A_67 : memref<640xf32, #tpu.memory_space<vmem_shared>>) target(%arg6 : memref<640xf32, #tpu.memory_space<vmem>>) target_semaphore(%run_scoped3A_65 : memref<!tpu.dma_semaphore, #tpu.memory_space<semaphore_mem>>)
      %dma_wait3A_68 = tpu.memref_slice %arg7[%mul3A_59] : memref<10240xf32, #tpu.memory_space<vmem_shared>> -> memref<640xf32, #tpu.memory_space<vmem_shared>>
      %dma_wait3A_69 = tpu.memref_slice %arg7[%mul3A_59] : memref<10240xf32, #tpu.memory_space<vmem_shared>> -> memref<640xf32, #tpu.memory_space<vmem_shared>>
      tpu.wait_dma2 semaphore(%run_scoped3A_65 : memref<!tpu.dma_semaphore, #tpu.memory_space<semaphore_mem>>) src(%dma_wait3A_69 : memref<640xf32, #tpu.memory_space<vmem_shared>>) dst(%arg6 : memref<640xf32, #tpu.memory_space<vmem>>)
      tpu.yield
    }) : () -> ()
    %mul3A_60 = arith.constant 10240 : i32
    %mul3A_61 = arith.muli %arg0, %mul3A_60 : i32
    %mul3A_62 = arith.constant 640 : i32
    %mul3A_63 = arith.muli %arg1, %mul3A_62 : i32
    %add3A_64 = arith.addi %mul3A_61, %mul3A_63 : i32
    "tpu.region"() ({
      %run_scoped3A_65 = tpu.sem_alloc : memref<!tpu.dma_semaphore, #tpu.memory_space<semaphore_mem>>
      %dma_start3A_66 = tpu.memref_slice %arg3[%add3A_64] : memref<20480xf32, #tpu.memory_space<hbm>> -> memref<640xf32, #tpu.memory_space<hbm>>
      %dma_start3A_67 = tpu.memref_slice %arg3[%add3A_64] : memref<20480xf32, #tpu.memory_space<hbm>> -> memref<640xf32, #tpu.memory_space<hbm>>
      tpu.enqueue_dma source(%arg6 : memref<640xf32, #tpu.memory_space<vmem>>) target(%dma_start3A_67 : memref<640xf32, #tpu.memory_space<hbm>>) target_semaphore(%run_scoped3A_65 : memref<!tpu.dma_semaphore, #tpu.memory_space<semaphore_mem>>)
      %dma_wait3A_68 = tpu.memref_slice %arg3[%add3A_64] : memref<20480xf32, #tpu.memory_space<hbm>> -> memref<640xf32, #tpu.memory_space<hbm>>
      %dma_wait3A_69 = tpu.memref_slice %arg3[%add3A_64] : memref<20480xf32, #tpu.memory_space<hbm>> -> memref<640xf32, #tpu.memory_space<hbm>>
      tpu.wait_dma2 semaphore(%run_scoped3A_65 : memref<!tpu.dma_semaphore, #tpu.memory_space<semaphore_mem>>) src(%arg6 : memref<640xf32, #tpu.memory_space<vmem>>) dst(%dma_wait3A_69 : memref<640xf32, #tpu.memory_space<hbm>>)
      tpu.yield
    }) : () -> ()
    return
  }
}

</mosaic_0001>

<sc_bundles>
// kernel: _sc_deg.3.cloned.1.call-start
scs
__scs_entry_jumppad:
0x0: {  	(pc) =	sbr.rel $0x88, $3  }
0x1: {  	(tag) =	ssettag $0x0;
	lr =	simm.s32 $0x1  }
0x2: {  	[smem:$0x3FA0] =	sst lr;
	_ =	strace $0xD0000000  }
0x3: {  	_ = 	snop  }
0x4: {  	_ = 	snop  }
0x5: {  	_ = 	snop  }
0x6: {  	_ = 	snop  }
0x7: {  	_ = 	snop  }
__scs_overlays_trampoline_lowered:
0x8: {  	[smem:$0x3FAF] =	sst s0  }
0x9: {  	[smem:$0x3FB0] =	sst s1  }
0xa: {  	[smem:$0x3FB1] =	sst s2  }
0xb: {  	[smem:$0x3FB2] =	sst s3  }
0xc: {  	[smem:$0x3FB3] =	sst s4  }
0xd: {  	[smem:$0x3FB4] =	sst s5  }
0xe: {  	[smem:$0x3FB5] =	sst s6  }
0xf: {  	[smem:$0x3FB6] =	sst s7  }
0x10: {  	[smem:$0x3FB7] =	sst s8  }
0x11: {  	[smem:$0x3FB8] =	sst s9;
	s0 =	simm.s32 @!p0 $0x0  }
0x12: {  	s1 =	sld [smem:$0x3F9E];
	s0 =	simm.s32 @p0 $0x1  }
0x13: {  	[smem:$0x3FB9] =	sst s0;
	s0 =	simm.s32 @!p1 $0x0  }
0x14: {  	s2 =	sld [smem:$0x3F9D];
	s0 =	simm.s32 @p1 $0x1  }
0x15: {  	[smem:$0x3FBA] =	sst s0;
	s0 =	simm.s32 @!p2 $0x0  }
0x16: {  	s3 =	sld [smem:$0x3FDB];
	s0 =	simm.s32 @p2 $0x1  }
0x17: {  	s4 =	simm.s32 $0x1BF5;
	[smem:$0x3FBC] =	sst s0  }
0x18: {  	s0 =	sld [smem:$0x3F9F];
	_ =	swait.ge [sflag:s4], $0x0  }
0x19: {  	s7 =	sld [smem:$0x3FA0]  }
0x1a: {  	s8 =	sadd.s32 $0xFFFFE003, lr  }
0x1b: {  	s9 =	sadd.s32 $0xFFFFFEF7, lr;
	s5 =	simm.s32 $0xFFFFFFFF;
	p2 =	slt.u32 s8, $0xFFFFF086  }
0x1c: {  	p1 =	slt.u32 s9, $0xF7A;
	s5 =	simm.s32 @!p2 $0x0  }
0x1d: {  	s5 =	simm.s32 @p1 $0x1;
	p0 =	seq.s32 s7, s2  }
0x1e: {  	s7 =	smul.u32 @!p0 $0xF7A, s2;
	p2 =	seq.s32 @!p0 s5, $0x0  }
0x1f: {  	s9 =	smul.u32 $0xF7A, s1;
	s8 =	simm.s32 @!p0 $0x1BF5;
	p2 =	por !p2, p0  }
0x20: {  	[sflag:s8] =	ssyncset.s32 @!p0 $0xFFFFF086;
	s6 =	sadd.s32 @!p0 s3, s7;
	s7 =	simm.s32 @!p0 $0x108  }
0x21: {  	s3 =	sadd.s32 s3, s9;
	s6 =	sadd.s32 @!p0 $0x88, s6;
	s7 =	simm.s32 @p2 $0x1082  }
0x22: {  	[simem:s7], [sflag:s8] =	dma.local @!p0 [hbm:s6], $0xF7A  }
0x23: {  	s9 =	sor.u32 $0xD0000000, s2;
	s6 =	simm.s32 $0x108;
	_ =	swait.ge @!p0 [sflag:s8], $0x0  }
0x24: {  	s3 =	sadd.s32 $0x88, s3;
	s6 =	simm.s32 @!p1 $0x1082;
	[sflag:s4] =	ssyncset.s32 $0xFFFFF086  }
0x25: {  	[simem:s6], [sflag:s4] =	dma.local [hbm:s3], $0xF7A  }
0x26: {  	[smem:$0x3FA0] =	sst s1;
	(tag) =	ssettag s2;
	_ =	strace s9  }
0x27: {  	s1 =	sld [smem:$0x3FB0]  }
0x28: {  	s2 =	sld [smem:$0x3FB1]  }
0x29: {  	s4 =	sld [smem:$0x3FB3]  }
0x2a: {  	p0 =	seq.s32 s5, $0x0;
	s5 =	sld [smem:$0x3FB4]  }
0x2b: {  	s6 =	sld [smem:$0x3FB5]  }
0x2c: {  	s7 =	sld [smem:$0x3FB6]  }
0x2d: {  	s3 =	simm.s32 $0x108;
	s8 =	sld [smem:$0x3FB7]  }
0x2e: {  	s3 =	simm.s32 @!p0 $0x1082;
	s9 =	sld [smem:$0x3FB8]  }
0x2f: {  	lr =	sadd.s32 s0, s3;
	s0 =	sld [smem:$0x3FAF]  }
0x30: {  	s3 =	sld [smem:$0x3FB2]  }
0x31: {  	[smem:$0x3FBB] =	sst s10  }
0x32: {  	s10 =	sld [smem:$0x3FB9];
	_ =	sdelay $0x3  }
0x33: {  	p0 =	seq.s32 s10, $0x1;
	s10 =	sld [smem:$0x3FBB];
	_ =	sdelay $0x3  }
0x34: {  	[smem:$0x3FBB] =	sst s10  }
0x35: {  	s10 =	sld [smem:$0x3FBA];
	_ =	sdelay $0x3  }
0x36: {  	p1 =	seq.s32 s10, $0x1;
	s10 =	sld [smem:$0x3FBB];
	_ =	sdelay $0x3  }
0x37: {  	[smem:$0x3FBB] =	sst s10  }
0x38: {  	s10 =	sld [smem:$0x3FBC]  }
0x39: {  	_ = 	snop;
	(pc) =	sbr.ind lr, $3  }
0x3a: {  	_ = 	snop  }
0x3b: {  	_ = 	snop  }
0x3c: {  	p2 =	seq.s32 s10, $0x1;
	s10 =	sld [smem:$0x3FBB]  }
0x3d: {  	_ =	shalt  }
0x3e: {  	_ =	shalt  }
0x3f: {  	_ =	shalt  }
0x40: {  	_ =	shalt  }
0x41: {  	_ =	shalt  }
0x42: {  	_ =	shalt  }
0x43: {  	_ =	shalt  }
0x44: {  	_ =	shalt  }
0x45: {  	_ =	shalt  }
0x46: {  	_ =	shalt  }
0x47: {  	_ =	shalt  }
0x48: {  	_ =	shalt  }
0x49: {  	_ =	shalt  }
0x4a: {  	_ =	shalt  }
0x4b: {  	_ =	shalt  }
0x4c: {  	_ =	shalt  }
0x4d: {  	_ =	shalt  }
0x4e: {  	_ =	shalt  }
0x4f: {  	_ =	shalt  }
0x50: {  	_ =	shalt  }
0x51: {  	_ =	shalt  }
0x52: {  	_ =	shalt  }
0x53: {  	_ =	shalt  }
0x54: {  	_ =	shalt  }
0x55: {  	_ =	shalt  }
0x56: {  	_ =	shalt  }
0x57: {  	_ =	shalt  }
0x58: {  	_ =	shalt  }
0x59: {  	_ =	shalt  }
0x5a: {  	_ =	shalt  }
0x5b: {  	_ =	shalt  }
0x5c: {  	_ =	shalt  }
0x5d: {  	_ =	shalt  }
0x5e: {  	_ =	shalt  }
0x5f: {  	_ =	shalt  }
0x60: {  	_ =	shalt  }
0x61: {  	_ =	shalt  }
0x62: {  	_ =	shalt  }
0x63: {  	_ =	shalt  }
0x64: {  	_ =	shalt  }
0x65: {  	_ =	shalt  }
0x66: {  	_ =	shalt  }
0x67: {  	_ =	shalt  }
0x68: {  	_ =	shalt  }
0x69: {  	_ =	shalt  }
0x6a: {  	_ =	shalt  }
0x6b: {  	_ =	shalt  }
0x6c: {  	_ =	shalt  }
0x6d: {  	_ =	shalt  }
0x6e: {  	_ =	shalt  }
0x6f: {  	_ =	shalt  }
0x70: {  	_ =	shalt  }
0x71: {  	_ =	shalt  }
0x72: {  	_ =	shalt  }
0x73: {  	_ =	shalt  }
0x74: {  	_ =	shalt  }
0x75: {  	_ =	shalt  }
0x76: {  	_ =	shalt  }
0x77: {  	_ =	shalt  }
0x78: {  	_ =	shalt  }
0x79: {  	_ =	shalt  }
0x7a: {  	_ =	shalt  }
0x7b: {  	_ =	shalt  }
0x7c: {  	_ =	shalt  }
0x7d: {  	_ =	shalt  }
0x7e: {  	_ =	shalt  }
0x7f: {  	_ =	shalt  }
0x80: {  	_ =	shalt  }
0x81: {  	_ =	shalt  }
0x82: {  	_ =	shalt  }
0x83: {  	_ =	shalt  }
0x84: {  	_ =	shalt  }
0x85: {  	_ =	shalt  }
0x86: {  	_ =	shalt  }
0x87: {  	_ =	shalt  }
.Lfunc_end0:
.L_simem_size_0:
called_computation_lowered:
.L_overlay_start_0:
0x88: {  	s2 =	sld [smem:$0x3FD9]  }
0x89: {  	s3 =	sld [smem:$0x3FFE];
	_ =	sdelay $0x1  }
0x8a: {  	s1 =	srdreg.scid  }
0x8b: {  	s0 =	sand.u32 $0x1, s1  }
0x8c: {  	s17 =	sshll.u32 s0, $0xA;
	s2 =	sadd.s32 s3, s2  }
0x8d: {  	s2 =	sadd.s32 s2, s17  }
0x8e: {  	[smem:$0x3FC7] =	sst s2  }
0x8f: {  	_ = 	snop  }
0x90: {  	s2 =	sld [smem:$0x3FD0];
	(tm) =	ssettm $0x1  }
0x91: {  	s18 =	sld [smem:$0x3FFB];
	_ =	sdelay $0x3  }
0x92: {  	_ =	strace s18  }
0x93: {  	s3 =	sld [smem:$0x3FFC];
	_ =	sdelay $0x3  }
0x94: {  	_ =	strace s3  }
0x95: {  	s3 =	sld [smem:$0x3FFD];
	_ =	sdelay $0x3  }
0x96: {  	_ =	strace s3  }
0x97: {  	_ =	strace $0x8FFFFFFF  }
0x98: {  	s19 =	sld [smem:$0x3FDB];
	_ =	sdelay $0x1  }
0x99: {  	s4 =	simm.s32 $_scs_section_size  }
0x9a: {  	s5 =	simm.s32 $_size__tile_overlayer_lowered;
	s6 =	simm.s32 $_tile_overlayer_lowered  }
0x9b: {  	s22 =	simm.s32 $0x1BFF;
	s21 =	sshll.u32 s6, $0x1;
	s3 =	sadd.s32 s4, s19  }
0x9c: {  	s7 =	simm.s32 $0x0;
	s20 =	sshll.u32 s5, $0x1;
	s5 =	sadd.s32 s21, s3  }
0x9d: {  	[timem:s7], [sflag:s22] =	dma.local [hbm:s5], s20  }
0x9e: {  	_ =	swait.ge [sflag:s22], s20  }
0x9f: {  	s4 =	ssub.s32 $0x0, s20;
	[sflag:s22] =	ssyncset.done $0x0  }
0xa0: {  	[sflag:s22] =	ssyncadd.s32 s4;
	_ =	sdelay $0x1  }
0xa1: {  	s23 =	simm.s32 $0x1B8B  }
0xa2: {  	_ =	swait.ge [sflag:s23], $0x1  }
0xa3: {  	[sflag:s23] =	ssyncset.done $0x0  }
0xa4: {  	s25 =	simm.s32 $0x1B8E;
	s24 =	sld [smem:$0x3FFE];
	[sflag:s23] =	ssyncadd.s32 $0xFFFFFFFF  }
0xa5: {  	s26 =	simm.s32 $execute0_lowered;
	[smem:$0x3FD2] =	sst s25  }
0xa6: {  	s5 =	sshll.u32 s26, $0x1;
	_ =	strace $0x80000046;
	[dreg:$0x1] =	wrdreg $0xFFFFFFFF  }
0xa7: {  	s28 =	simm.s32 $_size_execute0_lowered;
	s3 =	sadd.s32 s3, s5;
	[dreg:$0x0] =	wrdreg $0x0  }
0xa8: {  	s5 =	sshll.u32 s28, $0x1;
	[dreg:$0x2] =	wrdreg s3  }
0xa9: {  	[dreg:$0x3] =	wrdreg s5  }
0xaa: {  	[dreg:$0x4] =	wrdreg $0xC0  }
0xab: {  	_ =	task [dreg:s7], $0x5FFFF  }
0xac: {  	[dreg:$0x1] =	wrdreg $0xFFFFFFFF  }
0xad: {  	[dreg:$0x0] =	wrdreg $0x60  }
0xae: {  	[dreg:$0x2] =	wrdreg s24  }
0xaf: {  	[dreg:$0x3] =	wrdreg s2  }
0xb0: {  	[dreg:$0x4] =	wrdreg $0x47000  }
0xb1: {  	[dreg:$0x5] =	wrdreg $0x9  }
0xb2: {  	_ =	task.clear_ibuf [dreg:s7], $0x6FFFF;
	_ =	strace $0x90000046  }
0xb3: {  	s29 =	simm.s32 $0x9;
	_ =	strace $0x80000048  }
0xb4: {  	_ =	swait.ge [sflag:s29], $0x1  }
0xb5: {  	[sflag:s29] =	ssyncadd.s32 $0xFFFFFFFF  }
0xb6: {  	_ =	strace $0x90000048  }
0xb7: {  	_ =	sfence  }
0xb8: {  	s30 =	sld [smem:$0x0];
	_ =	sdelay $0x2  }
0xb9: {  	s31 =	sshll.u32 s1, $0xD;
	s1 =	sshrl.u32 s1, $0x2  }
0xba: {  	s3 =	sand.u32 $0x4000, s31;
	s1 =	sadd.s32 s1, s30  }
0xbb: {  	s0 =	sor.u32 s3, s0;
	s1 =	sshll.u32 s1, $0x11  }
0xbc: {  	s0 =	sor.u32 s1, s0  }
0xbd: {  	s0 =	sadd.s32 $0x8F2B, s0  }
0xbe: {  	[sflag:s0] =	ssyncadd.remote.s32 $0x1  }
0xbf: {  	_ =	sfence.sel $0xFFFF  }
0xc0: {  	[dreg:$0x0] =	wrdreg $0xFFFFFFFF;
	(pc) =	sbr.abs _section_cstart, $3  }
0xc1: {  	[dreg:$0x1] =	wrdreg $0xFFFFFFFF  }
0xc2: {  	_ =	task.clear_ibuf [dreg:s7], $0x2FFFF;
	_ =	strace $0x9FFFFFFF  }
0xc3: {  	(tm) =	ssettm $0x7FFFFFFF  }
tec
execute0_lowered:
.L_overlay_start_1:
0x0: {  	(tag) =	ssettag $0x1  }
0x1: {  	s4 =	rddreg [dreg:$0x0]  }
0x2: {  	s1 =	srdreg.scid;
	s7 =	rddreg [dreg:$0x1]  }
0x3: {  	s0 =	stileid.u32;
	s2 =	rddreg [dreg:$0x2]  }
0x4: {  	s3 =	simm.s32 $0x0;
	s15 =	simm.s32 $0x2;
	s9 =	smul.u32 $0x280, s0  }
0x5: {  	s5 =	sand.u32 $0x1, s1;
	s28 =	sshll.u32 s0, $0x1;
	s11 =	smul.u32 $0xFA, s0  }
0x6: {  	s16 =	simm.s32 $0x0;
	s1 =	sor.u32 s5, s28;
	s14 =	smul.u32 $0x7D, s5  }
0x7: {  	[smem:$0x7FF] =	sst s3;
	s10 =	ssub.s32 $0x2, s5;
	s6 =	smul.u32 $0x7D, s1  }
0x8: {  	s29 =	smul.u32 $0x2800, s5;
	s1 =	rddreg [dreg:$0x3];
	s13 =	sshrl.u32 s10, $0x1  }
0x9: {  	_ =	strace $0x80000047;
	s10 =	ssub.s32 s10, s13;
	s8 =	sand.u32 $0xFF8, s6  }
0xa: {  	s11 =	sadd.s32 s14, s11;
	s13 =	simm.s32 $0x4400;
	s8 =	smin.u32 s8, $0xF18  }
0xb: {  	s14 =	simm.s32 $0x1;
	s30 =	sand.u32 $0x1FF8, s11;
	s12 =	sshll.u32 s8, $0x4  }
0xc: {  	s6 =	ssub.s32 s6, s8;
	s8 =	smin.u32 s30, $0xF18;
	s12 =	sadd.s32 s12, s4  }
0xd: {  	s4 =	sadd.s32 s9, s2;
	s6 =	sshll.u32 s6, $0x9;
	s9 =	sadd.s32 s9, s29  }
0xe: {  	s8 =	ssub.s32 s11, s8;
	s11 =	simm.s32 $0x3;
	s5 =	sadd.s32 $0xFE00, s12  }
0xf: {  	s6 =	sshra.s32 s6, $0x2;
	s9 =	sshrl.u32 s9, $0x3;
	s31 =	sshll.u32 s8, $0x9  }
0x10: {  	s8 =	smax.u32 s10, $0x1;
	s10 =	simm.s32 $0x4480;
	s12 =	simm.s32 $0x50  }
0x11: {  	v0 =	vimm.f32 $0.0e+00;
	v1 =	vimm.f32 $1.000000000e+00;
	s6 =	sadd.s32 $0x3E00, s6;
	s7 =	sadd.s32 s7, s9;
	s9 =	sshra.s32 s31, $0x2  }
.LBB2_1:
0x12: {  	[tilespmem:$0x4480] =	vst v0  }
0x13: {  	[tilespmem:$0x4490] =	vst v0  }
0x14: {  	[tilespmem:$0x44A0] =	vst v0  }
0x15: {  	[tilespmem:$0x44B0] =	vst v0  }
0x16: {  	[tilespmem:$0x44C0] =	vst v0  }
0x17: {  	[tilespmem:$0x44D0] =	vst v0  }
0x18: {  	[tilespmem:$0x44E0] =	vst v0  }
0x19: {  	[tilespmem:$0x44F0] =	vst v0  }
0x1a: {  	[tilespmem:$0x4500] =	vst v0  }
0x1b: {  	[tilespmem:$0x4510] =	vst v0  }
0x1c: {  	[tilespmem:$0x4520] =	vst v0  }
0x1d: {  	[tilespmem:$0x4530] =	vst v0  }
0x1e: {  	[tilespmem:$0x4540] =	vst v0  }
0x1f: {  	[tilespmem:$0x4550] =	vst v0  }
0x20: {  	[tilespmem:$0x4560] =	vst v0  }
0x21: {  	[tilespmem:$0x4570] =	vst v0  }
0x22: {  	[tilespmem:$0x4580] =	vst v0  }
0x23: {  	[tilespmem:$0x4590] =	vst v0  }
0x24: {  	[tilespmem:$0x45A0] =	vst v0  }
0x25: {  	[tilespmem:$0x45B0] =	vst v0  }
0x26: {  	[tilespmem:$0x45C0] =	vst v0  }
0x27: {  	[tilespmem:$0x45D0] =	vst v0  }
0x28: {  	[tilespmem:$0x45E0] =	vst v0  }
0x29: {  	[tilespmem:$0x45F0] =	vst v0  }
0x2a: {  	[tilespmem:$0x4600] =	vst v0  }
0x2b: {  	[tilespmem:$0x4610] =	vst v0  }
0x2c: {  	[tilespmem:$0x4620] =	vst v0  }
0x2d: {  	[tilespmem:$0x4630] =	vst v0  }
0x2e: {  	[tilespmem:$0x4640] =	vst v0  }
0x2f: {  	[tilespmem:$0x4650] =	vst v0  }
0x30: {  	[tilespmem:$0x4660] =	vst v0  }
0x31: {  	[tilespmem:$0x4670] =	vst v0  }
0x32: {  	[tilespmem:$0x4680] =	vst v0  }
0x33: {  	[tilespmem:$0x4690] =	vst v0  }
0x34: {  	[tilespmem:$0x46A0] =	vst v0  }
0x35: {  	[tilespmem:$0x46B0] =	vst v0  }
0x36: {  	[tilespmem:$0x46C0] =	vst v0  }
0x37: {  	[tilespmem:$0x46D0] =	vst v0  }
0x38: {  	[tilespmem:$0x46E0] =	vst v0  }
0x39: {  	[tilespmem:$0x46F0] =	vst v0  }
0x3a: {  	[tilespmem:$0x4400] =	vst v1  }
0x3b: {  	[tilespmem:$0x4410] =	vst v1  }
0x3c: {  	[tilespmem:$0x4420] =	vst v1  }
0x3d: {  	[tilespmem:$0x4430] =	vst v1  }
0x3e: {  	[tilespmem:$0x4440] =	vst v1  }
0x3f: {  	[spmem:s4] =	stream.linear.scatter [tilespmem:s10], [sflag:$0x3], $0x280, $0x38;
	[tilespmem:$0x4980] =	vst v63  }
0x40: {  	_ =	swait.ge [sflag:s11], $0x280  }
0x41: {  	[sflag:s11] =	ssyncset.done $0x0  }
0x42: {  	[sflag:s11] =	ssyncadd.s32 $0xFFFFFD80  }
0x43: {  	[tilespmem:s3], [sflag:$0x3] =	stream.linear.gather [hbm4b:s5+s3], $0x4400, $0x38;
	[tilespmem:$0x4980] =	vst v63  }
0x44: {  	_ =	swait.ge [sflag:s11], $0x4400  }
0x45: {  	[sflag:s11] =	ssyncset.done $0x0  }
0x46: {  	[sflag:s11] =	ssyncadd.s32 $0xFFFFBC00  }
0x47: {  	s17 =	sadd.s32 $0x0, s9;
	[bflag:$0x0] =	sbarrier.arrive $0xFFFF  }
0x48: {  	[spmem:s2] =	stream.indirect.scatter.add.f32 [tilespmem:s13], [sflag:$0x1], $0x1, s17, s12, $0xb8;
	[tilespmem:$0x4980] =	vst v63  }
0x49: {  	s17 =	sadd.s32 $0x80, s17  }
0x4a: {  	[spmem:s2] =	stream.indirect.scatter.add.f32 [tilespmem:s13], [sflag:$0x2], $0x1, s17, s12, $0xb8;
	[tilespmem:$0x4980] =	vst v63  }
0x4b: {  	_ =	swait.ge [sflag:s14], $0x50  }
0x4c: {  	[sflag:s14] =	ssyncset.done $0x0  }
0x4d: {  	[sflag:s14] =	ssyncadd.s32 $0xFFFFFFB0  }
0x4e: {  	_ =	swait.ge [sflag:s15], $0x50  }
0x4f: {  	s18 =	simm.s32 $0x100;
	s17 =	simm.s32 $0x800;
	[sflag:s15] =	ssyncset.done $0x0  }
.LBB2_2:
0x50: {  	s18 =	sadd.s32 s18, s9  }
0x51: {  	[sflag:s15] =	ssyncadd.s32 $0xFFFFFFB0;
	s19 =	smov.u32 s17;
	s20 =	sadd.s32 $0x400, s17  }
0x52: {  	[spmem:s2] =	stream.indirect.scatter.add.f32 [tilespmem:s13], [sflag:$0x1], $0x1, s18, s12, $0xb8;
	[tilespmem:$0x4980] =	vst v63  }
0x53: {  	p0 =	sne.s32 s17, $0xF400;
	s17 =	sadd.s32 $0x80, s18  }
0x54: {  	[spmem:s2] =	stream.indirect.scatter.add.f32 [tilespmem:s13], [sflag:$0x2], $0x1, s17, s12, $0xb8;
	[tilespmem:$0x4980] =	vst v63  }
.Ltmp0:
0x55: {  	_ =	swait.ge [sflag:s14], $0x50;
	(pc) =	sbr.rel @p0 .LBB2_2-.Ltmp0, $4  }
0x56: {  	[sflag:s14] =	ssyncset.done $0x0  }
0x57: {  	[sflag:s14] =	ssyncadd.s32 $0xFFFFFFB0  }
0x58: {  	_ =	swait.ge [sflag:s15], $0x50  }
0x59: {  	s18 =	sshra.s32 s19, $0x2;
	s17 =	smov.u32 s20;
	[sflag:s15] =	ssyncset.done $0x0  }
0x5a: {  	s17 =	sadd.s32 s18, s9;
	[sflag:s15] =	ssyncadd.s32 $0xFFFFFFB0  }
0x5b: {  	[spmem:s2] =	stream.indirect.scatter.add.f32 [tilespmem:s13], [sflag:$0x1], $0x1, s17, s12, $0xb8;
	[tilespmem:$0x4980] =	vst v63  }
0x5c: {  	s17 =	sadd.s32 $0x80, s17  }
0x5d: {  	[spmem:s2] =	stream.indirect.scatter.add.f32 [tilespmem:s13], [sflag:$0x2], $0x1, s17, s12, $0xb8;
	[tilespmem:$0x4980] =	vst v63  }
0x5e: {  	_ =	swait.ge [sflag:s14], $0x50  }
0x5f: {  	[sflag:s14] =	ssyncset.done $0x0  }
0x60: {  	[sflag:s14] =	ssyncadd.s32 $0xFFFFFFB0  }
0x61: {  	_ =	swait.ge [sflag:s15], $0x50  }
0x62: {  	[sflag:s15] =	ssyncset.done $0x0  }
0x63: {  	[sflag:s15] =	ssyncadd.s32 $0xFFFFFFB0  }
0x64: {  	[spmem:s2] =	stream.indirect.scatter.add.f32 [tilespmem:s13], [sflag:$0x1], $0x1, s6, s12, $0xb8;
	[tilespmem:$0x4980] =	vst v63  }
0x65: {  	_ =	swait.ge [sflag:s14], $0x50  }
0x66: {  	[sflag:s14] =	ssyncset.done $0x0  }
0x67: {  	[sflag:s14] =	ssyncadd.s32 $0xFFFFFFB0  }
0x68: {  	[bflag:$0x0] =	sbarrier.arrive $0xFFFF  }
0x69: {  	[tilespmem:s10], [sflag:$0x3] =	stream.linear.gather [spmem:s4], $0x280, $0x38;
	[tilespmem:$0x4980] =	vst v63  }
0x6a: {  	s16 =	sadd.s32 $0x1, s16;
	_ =	swait.ge [sflag:s11], $0x280  }
0x6b: {  	p0 =	sne.s32 s16, s8;
	[sflag:s11] =	ssyncset.done $0x0  }
.Ltmp1:
0x6c: {  	[sflag:s11] =	ssyncadd.s32 $0xFFFFFD80;
	(pc) =	sbr.rel @p0 .LBB2_1-.Ltmp1, $4  }
0x6d: {  	[hbm4b:s7+s3] =	stream.linear.scatter [tilespmem:s10], [sflag:$0x3], $0x280, $0x38;
	[tilespmem:$0x4980] =	vst v63  }
0x6e: {  	_ =	swait.ge [sflag:s11], $0x280  }
0x6f: {  	[sflag:s11] =	ssyncset.done $0x0  }
0x70: {  	[sflag:s11] =	ssyncadd.s32 $0xFFFFFD80  }
0x71: {  	_ =	sfence.sel $0x180000  }
0x72: {  	[bflag:$0x0] =	sbarrier.arrive $0xFFFF  }
0x73: {  	p0 =	sne.s32 s0, $0x0;
	_ =	strace $0x90000047  }
0x74: {  	s0 =	sadd.s32 @!p0 $0x100000, s1;
	[bflag:$0x2] =	sbarrier.arrive $0xFFFF  }
0x75: {  	[sflag:s0] =	ssyncadd.tile.s32 @!p0 $0x1;
	_ =	shalt  }
.Lfunc_end2:
_tile_overlayer_lowered:
.L_overlay_start_2:
0x76: {  	(tag) =	ssettag $0x2  }
0x77: {  	s0 =	rddreg [dreg:$0x0];
	s2 =	stileid.u32  }
0x78: {  	s1 =	rddreg [dreg:$0x1];
	p0 =	sne.s32 s2, $0x0  }
0x79: {  	s3 =	rddreg [dreg:$0x2];
	[bflag:$0x3] =	sbarrier.arrive $0xFFFF;
	s2 =	simm.s32 @!p0 $0x1C03  }
0x7a: {  	[timem:s3], [sflag:s2] =	dma.local @!p0 [hbm:s0], s1  }
0x7b: {  	s0 =	simm.s32 @!p0 $0x3  }
0x7c: {  	_ =	swait.ge @!p0 [sflag:s0], s1  }
0x7d: {  	s1 =	ssub.s32 @!p0 $0x0, s1;
	[sflag:s0] =	ssyncset.done @!p0 $0x0  }
0x7e: {  	[sflag:s0] =	ssyncadd.s32 @!p0 s1  }
0x7f: {  	[bflag:$0x3] =	sbarrier.arrive $0xFFFF  }
0x80: {  	_ =	shalt  }

</sc_bundles>
